<compile_context>
chip_gen: v7x
topology: tpu7x:2x2x1
jax: 0.10.2.dev20260603
libtpu: 0.0.44.dev20260713+nightly
codegen_flags: <defaults>
</compile_context>

<pallas_src>
import functools

import jax
import jax.numpy as jnp
from jax import lax
from jax.experimental import pallas as pl
from jax.experimental.pallas import tpu as pltpu
from jax.experimental.pallas import tpu_sc as plsc

NUM_BLOCKS = 8
M = 2000
PM = 2048
D = 2048
NC = 2
NS = 16
W_FULL = 504
W_TAIL = 488
C = 24
ITERS = W_FULL // C
ROLLED_PAIRS = (ITERS - 3) // 2


def _unpad(inp):
    mesh = plsc.VectorSubcoreMesh(core_axis_name="c", subcore_axis_name="s")

    @functools.partial(
        pl.kernel,
        mesh=mesh,
        out_type=jax.ShapeDtypeStruct((NUM_BLOCKS * M, D), jnp.float32),
        scratch_types=(
            [pltpu.VMEM((C, D), jnp.float32)] * 2
            + [pltpu.SemaphoreType.DMA] * 4
        ),
    )
    def k(inp_hbm, out_hbm, b0, b1, i0, i1, o0, o1):
        bufs = (b0, b1)
        isems = (i0, i1)
        osems = (o0, o1)
        wid = lax.axis_index("c") * NS + lax.axis_index("s")
        blk = wid // 4
        sub = wid % 4
        off = sub * W_FULL
        src0 = blk * PM + off
        dst0 = blk * M + off
        is_tail = sub == 3
        last_base = jnp.where(is_tail, W_TAIL - C, W_FULL - C)

        def start_in(base, slot):
            s = pl.multiple_of(src0 + base, 8)
            return pltpu.async_copy(
                inp_hbm.at[pl.ds(s, C), :], bufs[slot], isems[slot]
            )

        def start_out(base, slot):
            d = pl.multiple_of(dst0 + base, 8)
            return pltpu.async_copy(
                bufs[slot], out_hbm.at[pl.ds(d, C), :], osems[slot]
            )

        def wait_in(slot):
            pltpu.make_async_copy(
                inp_hbm.at[pl.ds(src0, C), :], bufs[slot], isems[slot]
            ).wait()

        def wait_out(slot):
            pltpu.make_async_copy(
                bufs[slot], out_hbm.at[pl.ds(dst0, C), :], osems[slot]
            ).wait()

        start_in(0, 0)
        start_in(C, 1)

        def body(p, carry):
            for slot in (0, 1):
                b = (2 * p + slot) * C
                nb = (2 * p + slot + 2) * C
                wait_in(slot)
                start_out(b, slot)
                wait_out(slot)
                start_in(nb, slot)
            return carry

        lax.fori_loop(0, ROLLED_PAIRS, body, jnp.int32(0))

        wait_in(0)
        start_out(18 * C, 0)
        wait_out(0)
        start_in(last_base, 0)
        wait_in(1)
        start_out(19 * C, 1)
        wait_in(0)
        start_out(last_base, 0)
        wait_out(1)
        wait_out(0)

    return k(inp)


def kernel(inp, m_splits):
    inp2d = inp.reshape(-1, inp.shape[-1])
    return _unpad(inp2d)

# --- scband reference (transcript-rebuilt; emitter-appended) ---
"""Pipeline reference for scband-fp8-unpadding-11948599018074 (READ-ONLY COPY).

The authoritative reference and input builder live on the scoring server;
editing this copy changes nothing except your own understanding.
"""

import jax, jax.numpy as jnp
import numpy as np

NUM_GEMMS = 8
M_SPLITS = tuple([2000] * NUM_GEMMS)
PADDED_M_SPLITS = tuple([(m + 255) // 256 * 256 for m in M_SPLITS])
D_MODEL = 2048


def setup_inputs(seed: int = 0) -> dict:
    key = jax.random.key(seed)
    inp = jax.random.normal(key, (sum(PADDED_M_SPLITS), D_MODEL), dtype=jnp.float32)
    # m_splits is a list of Python ints in the torch module; represent as an int array
    # (values are static split sizes, used as constants)
    m_splits = jnp.array(M_SPLITS, dtype=jnp.int32)
    return {"inp": inp, "m_splits": m_splits}


def reference(inp, m_splits):
    # Faithful translation of _Fp8Unpadding.forward:
    #   padded_m_splits = [(m + 255) // 256 * 256 for m in m_splits]
    #   split inp (viewed as [-1, hidden]) by padded_m_splits, then take the
    #   first m_splits[i] rows of each chunk and concatenate.
    assert m_splits.shape[0] == NUM_GEMMS, 'Number of splits should match number of GEMMs.'
    padded = (m_splits + 255) // 256 * 256
    inp2d = inp.reshape(-1, inp.shape[-1])
    offsets = jnp.concatenate([jnp.zeros((1,), dtype=padded.dtype), jnp.cumsum(padded)])
    parts = [
        jax.lax.dynamic_slice_in_dim(inp2d, offsets[i], M_SPLITS[i], axis=0)
        for i in range(NUM_GEMMS)
    ]
    out = jnp.concatenate(parts, axis=0)
    return out

if __name__ == "__main__":
    import jax
    _d = setup_inputs()
    print(jax.jit(kernel)(*tuple(_d.values())))

</pallas_src>

<mosaic_0001>
#map = affine_map<(d0, d1) -> (0, 0)>
module attributes {stable_mosaic.version = 14 : i64} {
  func.func @k(%arg0: i32, %arg1: i32, %arg2: memref<16384x2048xf32, #tpu.memory_space<hbm>>, %arg3: memref<16000x2048xf32, #tpu.memory_space<hbm>>, %arg4: memref<24x2048xf32, #tpu.memory_space<vmem>>, %arg5: memref<24x2048xf32, #tpu.memory_space<vmem>>, %arg6: memref<!tpu.dma_semaphore, #tpu.memory_space<semaphore_mem>>, %arg7: memref<!tpu.dma_semaphore, #tpu.memory_space<semaphore_mem>>, %arg8: memref<!tpu.dma_semaphore, #tpu.memory_space<semaphore_mem>>, %arg9: memref<!tpu.dma_semaphore, #tpu.memory_space<semaphore_mem>>) attributes {dimension_semantics = [#tpu.dimension_semantics<core_parallel>, #tpu.dimension_semantics<subcore_parallel>], iteration_bounds = array<i64: 2, 16>, scalar_prefetch = 0 : i64, scratch_operands = 6 : i64, tpu.core_type = #tpu.core_type<sc_vector_subcore>, window_params = [{transform_indices = #map}, {transform_indices = #map}]} {
    %mul3A = arith.constant 16 : i32
    %mul3A_0 = arith.muli %arg0, %mul3A : i32
    %add3A = arith.addi %mul3A_0, %arg1 : i32
    %jit3A = arith.constant 4 : i32
    %div3A = arith.divsi %add3A, %jit3A : i32
    %sign3A = arith.constant 0 : i32
    %sign3A_1 = arith.cmpi sgt, %add3A, %sign3A : i32
    %sign3A_2 = arith.extui %sign3A_1 : i1 to i32
    %sign3A_3 = arith.constant 0 : i32
    %sign3A_4 = arith.cmpi slt, %add3A, %sign3A_3 : i32
    %sign3A_5 = arith.extui %sign3A_4 : i1 to i32
    %sign3A_6 = arith.subi %sign3A_2, %sign3A_5 : i32
    %sign3A_7 = arith.constant 0 : i32
    %sign3A_8 = arith.cmpi sgt, %jit3A, %sign3A_7 : i32
    %sign3A_9 = arith.extui %sign3A_8 : i1 to i32
    %sign3A_10 = arith.constant 0 : i32
    %sign3A_11 = arith.cmpi slt, %jit3A, %sign3A_10 : i32
    %sign3A_12 = arith.extui %sign3A_11 : i1 to i32
    %sign3A_13 = arith.subi %sign3A_9, %sign3A_12 : i32
    %ne3A = arith.cmpi ne, %sign3A_6, %sign3A_13 : i32
    %rem3A = arith.remsi %add3A, %jit3A : i32
    %ne3A_14 = arith.constant 0 : i32
    %ne3A_15 = arith.cmpi ne, %rem3A, %ne3A_14 : i32
    %and3A = arith.andi %ne3A, %ne3A_15 : i1
    %sub3A = arith.constant 1 : i32
    %sub3A_16 = arith.subi %div3A, %sub3A : i32
    %select_n3A = arith.select %and3A, %sub3A_16, %div3A : i32
    %jit3A_17 = arith.constant 4 : i32
    %eq3A = arith.constant 0 : i32
    %eq3A_18 = arith.cmpi eq, %jit3A_17, %eq3A : i32
    %jit3A_19 = arith.constant 1 : i32
    %select_n3A_20 = arith.select %eq3A_18, %jit3A_19, %jit3A_17 : i32
    %rem3A_21 = arith.remsi %add3A, %select_n3A_20 : i32
    %ne3A_22 = arith.constant 0 : i32
    %ne3A_23 = arith.cmpi ne, %rem3A_21, %ne3A_22 : i32
    %lt3A = arith.constant 0 : i32
    %lt3A_24 = arith.cmpi slt, %rem3A_21, %lt3A : i32
    %lt3A_25 = arith.constant 0 : i32
    %lt3A_26 = arith.cmpi slt, %select_n3A_20, %lt3A_25 : i32
    %ne3A_27 = arith.xori %lt3A_24, %lt3A_26 : i1
    %and3A_28 = arith.andi %ne3A_27, %ne3A_23 : i1
    %add3A_29 = arith.addi %rem3A_21, %select_n3A_20 : i32
    %select_n3A_30 = arith.select %and3A_28, %add3A_29, %rem3A_21 : i32
    %mul3A_31 = arith.constant 504 : i32
    %mul3A_32 = arith.muli %select_n3A_30, %mul3A_31 : i32
    %mul3A_33 = arith.constant 2048 : i32
    %mul3A_34 = arith.muli %select_n3A, %mul3A_33 : i32
    %add3A_35 = arith.addi %mul3A_34, %mul3A_32 : i32
    %mul3A_36 = arith.constant 2000 : i32
    %mul3A_37 = arith.muli %select_n3A, %mul3A_36 : i32
    %add3A_38 = arith.addi %mul3A_37, %mul3A_32 : i32
    %eq3A_39 = arith.constant 3 : i32
    %eq3A_40 = arith.cmpi eq, %select_n3A_30, %eq3A_39 : i32
    %jit3A_41 = arith.constant 464 : i32
    %jit3A_42 = arith.constant 480 : i32
    %select_n3A_43 = arith.select %eq3A_40, %jit3A_41, %jit3A_42 : i32
    %add3A_44 = arith.constant 0 : i32
    %add3A_45 = arith.addi %add3A_35, %add3A_44 : i32
    %multiple_of3A = tpu.assume_multiple %add3A_45, 8 : i32
    %dma_start3A = arith.constant 0 : i32
    %dma_start3A_46 = tpu.memref_slice %arg2[%multiple_of3A, %dma_start3A] : memref<16384x2048xf32, #tpu.memory_space<hbm>> -> memref<24x2048xf32, #tpu.memory_space<hbm>>
    %dma_start3A_47 = arith.constant 0 : i32
    %dma_start3A_48 = tpu.memref_slice %arg2[%multiple_of3A, %dma_start3A_47] : memref<16384x2048xf32, #tpu.memory_space<hbm>> -> memref<24x2048xf32, #tpu.memory_space<hbm>>
    tpu.enqueue_dma source(%dma_start3A_48 : memref<24x2048xf32, #tpu.memory_space<hbm>>) target(%arg4 : memref<24x2048xf32, #tpu.memory_space<vmem>>) target_semaphore(%arg6 : memref<!tpu.dma_semaphore, #tpu.memory_space<semaphore_mem>>)
    %add3A_49 = arith.constant 24 : i32
    %add3A_50 = arith.addi %add3A_35, %add3A_49 : i32
    %multiple_of3A_51 = tpu.assume_multiple %add3A_50, 8 : i32
    %dma_start3A_52 = arith.constant 0 : i32
    %dma_start3A_53 = tpu.memref_slice %arg2[%multiple_of3A_51, %dma_start3A_52] : memref<16384x2048xf32, #tpu.memory_space<hbm>> -> memref<24x2048xf32, #tpu.memory_space<hbm>>
    %dma_start3A_54 = arith.constant 0 : i32
    %dma_start3A_55 = tpu.memref_slice %arg2[%multiple_of3A_51, %dma_start3A_54] : memref<16384x2048xf32, #tpu.memory_space<hbm>> -> memref<24x2048xf32, #tpu.memory_space<hbm>>
    tpu.enqueue_dma source(%dma_start3A_55 : memref<24x2048xf32, #tpu.memory_space<hbm>>) target(%arg5 : memref<24x2048xf32, #tpu.memory_space<vmem>>) target_semaphore(%arg7 : memref<!tpu.dma_semaphore, #tpu.memory_space<semaphore_mem>>)
    %scan3A = arith.constant 0 : i32
    %scan3A_56 = arith.constant 0 : i32
    %scan3A_57 = arith.constant 9 : i32
    %scan3A_58 = arith.addi %scan3A_56, %scan3A_57 : i32
    %scan3A_59 = arith.constant 1 : i32
    scf.for %scan3A_110 = %scan3A_56 to %scan3A_58 step %scan3A_59  : i32 {
      %mul3A_111 = arith.constant 2 : i32
      %mul3A_112 = arith.muli %mul3A_111, %scan3A_110 : i32
      %add3A_113 = arith.constant 0 : i32
      %add3A_114 = arith.addi %mul3A_112, %add3A_113 : i32
      %mul3A_115 = arith.constant 24 : i32
      %mul3A_116 = arith.muli %add3A_114, %mul3A_115 : i32
      %mul3A_117 = arith.constant 2 : i32
      %mul3A_118 = arith.muli %mul3A_117, %scan3A_110 : i32
      %add3A_119 = arith.constant 0 : i32
      %add3A_120 = arith.addi %mul3A_118, %add3A_119 : i32
      %add3A_121 = arith.constant 2 : i32
      %add3A_122 = arith.addi %add3A_120, %add3A_121 : i32
      %mul3A_123 = arith.constant 24 : i32
      %mul3A_124 = arith.muli %add3A_122, %mul3A_123 : i32
      %dma_wait3A_125 = arith.constant 0 : i32
      %dma_wait3A_126 = tpu.memref_slice %arg2[%add3A_35, %dma_wait3A_125] : memref<16384x2048xf32, #tpu.memory_space<hbm>> -> memref<24x2048xf32, #tpu.memory_space<hbm>>
      %dma_wait3A_127 = arith.constant 0 : i32
      %dma_wait3A_128 = tpu.memref_slice %arg2[%add3A_35, %dma_wait3A_127] : memref<16384x2048xf32, #tpu.memory_space<hbm>> -> memref<24x2048xf32, #tpu.memory_space<hbm>>
      tpu.wait_dma2 semaphore(%arg6 : memref<!tpu.dma_semaphore, #tpu.memory_space<semaphore_mem>>) src(%dma_wait3A_128 : memref<24x2048xf32, #tpu.memory_space<hbm>>) dst(%arg4 : memref<24x2048xf32, #tpu.memory_space<vmem>>)
      %add3A_129 = arith.addi %add3A_38, %mul3A_116 : i32
      %multiple_of3A_130 = tpu.assume_multiple %add3A_129, 8 : i32
      %dma_start3A_131 = arith.constant 0 : i32
      %dma_start3A_132 = tpu.memref_slice %arg3[%multiple_of3A_130, %dma_start3A_131] : memref<16000x2048xf32, #tpu.memory_space<hbm>> -> memref<24x2048xf32, #tpu.memory_space<hbm>>
      %dma_start3A_133 = arith.constant 0 : i32
      %dma_start3A_134 = tpu.memref_slice %arg3[%multiple_of3A_130, %dma_start3A_133] : memref<16000x2048xf32, #tpu.memory_space<hbm>> -> memref<24x2048xf32, #tpu.memory_space<hbm>>
      tpu.enqueue_dma source(%arg4 : memref<24x2048xf32, #tpu.memory_space<vmem>>) target(%dma_start3A_134 : memref<24x2048xf32, #tpu.memory_space<hbm>>) target_semaphore(%arg8 : memref<!tpu.dma_semaphore, #tpu.memory_space<semaphore_mem>>)
      %dma_wait3A_135 = arith.constant 0 : i32
      %dma_wait3A_136 = tpu.memref_slice %arg3[%add3A_38, %dma_wait3A_135] : memref<16000x2048xf32, #tpu.memory_space<hbm>> -> memref<24x2048xf32, #tpu.memory_space<hbm>>
      %dma_wait3A_137 = arith.constant 0 : i32
      %dma_wait3A_138 = tpu.memref_slice %arg3[%add3A_38, %dma_wait3A_137] : memref<16000x2048xf32, #tpu.memory_space<hbm>> -> memref<24x2048xf32, #tpu.memory_space<hbm>>
      tpu.wait_dma2 semaphore(%arg8 : memref<!tpu.dma_semaphore, #tpu.memory_space<semaphore_mem>>) src(%arg4 : memref<24x2048xf32, #tpu.memory_space<vmem>>) dst(%dma_wait3A_138 : memref<24x2048xf32, #tpu.memory_space<hbm>>)
      %add3A_139 = arith.addi %add3A_35, %mul3A_124 : i32
      %multiple_of3A_140 = tpu.assume_multiple %add3A_139, 8 : i32
      %dma_start3A_141 = arith.constant 0 : i32
      %dma_start3A_142 = tpu.memref_slice %arg2[%multiple_of3A_140, %dma_start3A_141] : memref<16384x2048xf32, #tpu.memory_space<hbm>> -> memref<24x2048xf32, #tpu.memory_space<hbm>>
      %dma_start3A_143 = arith.constant 0 : i32
      %dma_start3A_144 = tpu.memref_slice %arg2[%multiple_of3A_140, %dma_start3A_143] : memref<16384x2048xf32, #tpu.memory_space<hbm>> -> memref<24x2048xf32, #tpu.memory_space<hbm>>
      tpu.enqueue_dma source(%dma_start3A_144 : memref<24x2048xf32, #tpu.memory_space<hbm>>) target(%arg4 : memref<24x2048xf32, #tpu.memory_space<vmem>>) target_semaphore(%arg6 : memref<!tpu.dma_semaphore, #tpu.memory_space<semaphore_mem>>)
      %mul3A_145 = arith.constant 2 : i32
      %mul3A_146 = arith.muli %mul3A_145, %scan3A_110 : i32
      %add3A_147 = arith.constant 1 : i32
      %add3A_148 = arith.addi %mul3A_146, %add3A_147 : i32
      %mul3A_149 = arith.constant 24 : i32
      %mul3A_150 = arith.muli %add3A_148, %mul3A_149 : i32
      %mul3A_151 = arith.constant 2 : i32
      %mul3A_152 = arith.muli %mul3A_151, %scan3A_110 : i32
      %add3A_153 = arith.constant 1 : i32
      %add3A_154 = arith.addi %mul3A_152, %add3A_153 : i32
      %add3A_155 = arith.constant 2 : i32
      %add3A_156 = arith.addi %add3A_154, %add3A_155 : i32
      %mul3A_157 = arith.constant 24 : i32
      %mul3A_158 = arith.muli %add3A_156, %mul3A_157 : i32
      %dma_wait3A_159 = arith.constant 0 : i32
      %dma_wait3A_160 = tpu.memref_slice %arg2[%add3A_35, %dma_wait3A_159] : memref<16384x2048xf32, #tpu.memory_space<hbm>> -> memref<24x2048xf32, #tpu.memory_space<hbm>>
      %dma_wait3A_161 = arith.constant 0 : i32
      %dma_wait3A_162 = tpu.memref_slice %arg2[%add3A_35, %dma_wait3A_161] : memref<16384x2048xf32, #tpu.memory_space<hbm>> -> memref<24x2048xf32, #tpu.memory_space<hbm>>
      tpu.wait_dma2 semaphore(%arg7 : memref<!tpu.dma_semaphore, #tpu.memory_space<semaphore_mem>>) src(%dma_wait3A_162 : memref<24x2048xf32, #tpu.memory_space<hbm>>) dst(%arg5 : memref<24x2048xf32, #tpu.memory_space<vmem>>)
      %add3A_163 = arith.addi %add3A_38, %mul3A_150 : i32
      %multiple_of3A_164 = tpu.assume_multiple %add3A_163, 8 : i32
      %dma_start3A_165 = arith.constant 0 : i32
      %dma_start3A_166 = tpu.memref_slice %arg3[%multiple_of3A_164, %dma_start3A_165] : memref<16000x2048xf32, #tpu.memory_space<hbm>> -> memref<24x2048xf32, #tpu.memory_space<hbm>>
      %dma_start3A_167 = arith.constant 0 : i32
      %dma_start3A_168 = tpu.memref_slice %arg3[%multiple_of3A_164, %dma_start3A_167] : memref<16000x2048xf32, #tpu.memory_space<hbm>> -> memref<24x2048xf32, #tpu.memory_space<hbm>>
      tpu.enqueue_dma source(%arg5 : memref<24x2048xf32, #tpu.memory_space<vmem>>) target(%dma_start3A_168 : memref<24x2048xf32, #tpu.memory_space<hbm>>) target_semaphore(%arg9 : memref<!tpu.dma_semaphore, #tpu.memory_space<semaphore_mem>>)
      %dma_wait3A_169 = arith.constant 0 : i32
      %dma_wait3A_170 = tpu.memref_slice %arg3[%add3A_38, %dma_wait3A_169] : memref<16000x2048xf32, #tpu.memory_space<hbm>> -> memref<24x2048xf32, #tpu.memory_space<hbm>>
      %dma_wait3A_171 = arith.constant 0 : i32
      %dma_wait3A_172 = tpu.memref_slice %arg3[%add3A_38, %dma_wait3A_171] : memref<16000x2048xf32, #tpu.memory_space<hbm>> -> memref<24x2048xf32, #tpu.memory_space<hbm>>
      tpu.wait_dma2 semaphore(%arg9 : memref<!tpu.dma_semaphore, #tpu.memory_space<semaphore_mem>>) src(%arg5 : memref<24x2048xf32, #tpu.memory_space<vmem>>) dst(%dma_wait3A_172 : memref<24x2048xf32, #tpu.memory_space<hbm>>)
      %add3A_173 = arith.addi %add3A_35, %mul3A_158 : i32
      %multiple_of3A_174 = tpu.assume_multiple %add3A_173, 8 : i32
      %dma_start3A_175 = arith.constant 0 : i32
      %dma_start3A_176 = tpu.memref_slice %arg2[%multiple_of3A_174, %dma_start3A_175] : memref<16384x2048xf32, #tpu.memory_space<hbm>> -> memref<24x2048xf32, #tpu.memory_space<hbm>>
      %dma_start3A_177 = arith.constant 0 : i32
      %dma_start3A_178 = tpu.memref_slice %arg2[%multiple_of3A_174, %dma_start3A_177] : memref<16384x2048xf32, #tpu.memory_space<hbm>> -> memref<24x2048xf32, #tpu.memory_space<hbm>>
      tpu.enqueue_dma source(%dma_start3A_178 : memref<24x2048xf32, #tpu.memory_space<hbm>>) target(%arg5 : memref<24x2048xf32, #tpu.memory_space<vmem>>) target_semaphore(%arg7 : memref<!tpu.dma_semaphore, #tpu.memory_space<semaphore_mem>>)
    }
    %scan3A_60 = arith.constant 9 : i32
    %dma_wait3A = arith.constant 0 : i32
    %dma_wait3A_61 = tpu.memref_slice %arg2[%add3A_35, %dma_wait3A] : memref<16384x2048xf32, #tpu.memory_space<hbm>> -> memref<24x2048xf32, #tpu.memory_space<hbm>>
    %dma_wait3A_62 = arith.constant 0 : i32
    %dma_wait3A_63 = tpu.memref_slice %arg2[%add3A_35, %dma_wait3A_62] : memref<16384x2048xf32, #tpu.memory_space<hbm>> -> memref<24x2048xf32, #tpu.memory_space<hbm>>
    tpu.wait_dma2 semaphore(%arg6 : memref<!tpu.dma_semaphore, #tpu.memory_space<semaphore_mem>>) src(%dma_wait3A_63 : memref<24x2048xf32, #tpu.memory_space<hbm>>) dst(%arg4 : memref<24x2048xf32, #tpu.memory_space<vmem>>)
    %add3A_64 = arith.constant 432 : i32
    %add3A_65 = arith.addi %add3A_38, %add3A_64 : i32
    %multiple_of3A_66 = tpu.assume_multiple %add3A_65, 8 : i32
    %dma_start3A_67 = arith.constant 0 : i32
    %dma_start3A_68 = tpu.memref_slice %arg3[%multiple_of3A_66, %dma_start3A_67] : memref<16000x2048xf32, #tpu.memory_space<hbm>> -> memref<24x2048xf32, #tpu.memory_space<hbm>>
    %dma_start3A_69 = arith.constant 0 : i32
    %dma_start3A_70 = tpu.memref_slice %arg3[%multiple_of3A_66, %dma_start3A_69] : memref<16000x2048xf32, #tpu.memory_space<hbm>> -> memref<24x2048xf32, #tpu.memory_space<hbm>>
    tpu.enqueue_dma source(%arg4 : memref<24x2048xf32, #tpu.memory_space<vmem>>) target(%dma_start3A_70 : memref<24x2048xf32, #tpu.memory_space<hbm>>) target_semaphore(%arg8 : memref<!tpu.dma_semaphore, #tpu.memory_space<semaphore_mem>>)
    %dma_wait3A_71 = arith.constant 0 : i32
    %dma_wait3A_72 = tpu.memref_slice %arg3[%add3A_38, %dma_wait3A_71] : memref<16000x2048xf32, #tpu.memory_space<hbm>> -> memref<24x2048xf32, #tpu.memory_space<hbm>>
    %dma_wait3A_73 = arith.constant 0 : i32
    %dma_wait3A_74 = tpu.memref_slice %arg3[%add3A_38, %dma_wait3A_73] : memref<16000x2048xf32, #tpu.memory_space<hbm>> -> memref<24x2048xf32, #tpu.memory_space<hbm>>
    tpu.wait_dma2 semaphore(%arg8 : memref<!tpu.dma_semaphore, #tpu.memory_space<semaphore_mem>>) src(%arg4 : memref<24x2048xf32, #tpu.memory_space<vmem>>) dst(%dma_wait3A_74 : memref<24x2048xf32, #tpu.memory_space<hbm>>)
    %add3A_75 = arith.addi %add3A_35, %select_n3A_43 : i32
    %multiple_of3A_76 = tpu.assume_multiple %add3A_75, 8 : i32
    %dma_start3A_77 = arith.constant 0 : i32
    %dma_start3A_78 = tpu.memref_slice %arg2[%multiple_of3A_76, %dma_start3A_77] : memref<16384x2048xf32, #tpu.memory_space<hbm>> -> memref<24x2048xf32, #tpu.memory_space<hbm>>
    %dma_start3A_79 = arith.constant 0 : i32
    %dma_start3A_80 = tpu.memref_slice %arg2[%multiple_of3A_76, %dma_start3A_79] : memref<16384x2048xf32, #tpu.memory_space<hbm>> -> memref<24x2048xf32, #tpu.memory_space<hbm>>
    tpu.enqueue_dma source(%dma_start3A_80 : memref<24x2048xf32, #tpu.memory_space<hbm>>) target(%arg4 : memref<24x2048xf32, #tpu.memory_space<vmem>>) target_semaphore(%arg6 : memref<!tpu.dma_semaphore, #tpu.memory_space<semaphore_mem>>)
    %dma_wait3A_81 = arith.constant 0 : i32
    %dma_wait3A_82 = tpu.memref_slice %arg2[%add3A_35, %dma_wait3A_81] : memref<16384x2048xf32, #tpu.memory_space<hbm>> -> memref<24x2048xf32, #tpu.memory_space<hbm>>
    %dma_wait3A_83 = arith.constant 0 : i32
    %dma_wait3A_84 = tpu.memref_slice %arg2[%add3A_35, %dma_wait3A_83] : memref<16384x2048xf32, #tpu.memory_space<hbm>> -> memref<24x2048xf32, #tpu.memory_space<hbm>>
    tpu.wait_dma2 semaphore(%arg7 : memref<!tpu.dma_semaphore, #tpu.memory_space<semaphore_mem>>) src(%dma_wait3A_84 : memref<24x2048xf32, #tpu.memory_space<hbm>>) dst(%arg5 : memref<24x2048xf32, #tpu.memory_space<vmem>>)
    %add3A_85 = arith.constant 456 : i32
    %add3A_86 = arith.addi %add3A_38, %add3A_85 : i32
    %multiple_of3A_87 = tpu.assume_multiple %add3A_86, 8 : i32
    %dma_start3A_88 = arith.constant 0 : i32
    %dma_start3A_89 = tpu.memref_slice %arg3[%multiple_of3A_87, %dma_start3A_88] : memref<16000x2048xf32, #tpu.memory_space<hbm>> -> memref<24x2048xf32, #tpu.memory_space<hbm>>
    %dma_start3A_90 = arith.constant 0 : i32
    %dma_start3A_91 = tpu.memref_slice %arg3[%multiple_of3A_87, %dma_start3A_90] : memref<16000x2048xf32, #tpu.memory_space<hbm>> -> memref<24x2048xf32, #tpu.memory_space<hbm>>
    tpu.enqueue_dma source(%arg5 : memref<24x2048xf32, #tpu.memory_space<vmem>>) target(%dma_start3A_91 : memref<24x2048xf32, #tpu.memory_space<hbm>>) target_semaphore(%arg9 : memref<!tpu.dma_semaphore, #tpu.memory_space<semaphore_mem>>)
    %dma_wait3A_92 = arith.constant 0 : i32
    %dma_wait3A_93 = tpu.memref_slice %arg2[%add3A_35, %dma_wait3A_92] : memref<16384x2048xf32, #tpu.memory_space<hbm>> -> memref<24x2048xf32, #tpu.memory_space<hbm>>
    %dma_wait3A_94 = arith.constant 0 : i32
    %dma_wait3A_95 = tpu.memref_slice %arg2[%add3A_35, %dma_wait3A_94] : memref<16384x2048xf32, #tpu.memory_space<hbm>> -> memref<24x2048xf32, #tpu.memory_space<hbm>>
    tpu.wait_dma2 semaphore(%arg6 : memref<!tpu.dma_semaphore, #tpu.memory_space<semaphore_mem>>) src(%dma_wait3A_95 : memref<24x2048xf32, #tpu.memory_space<hbm>>) dst(%arg4 : memref<24x2048xf32, #tpu.memory_space<vmem>>)
    %add3A_96 = arith.addi %add3A_38, %select_n3A_43 : i32
    %multiple_of3A_97 = tpu.assume_multiple %add3A_96, 8 : i32
    %dma_start3A_98 = arith.constant 0 : i32
    %dma_start3A_99 = tpu.memref_slice %arg3[%multiple_of3A_97, %dma_start3A_98] : memref<16000x2048xf32, #tpu.memory_space<hbm>> -> memref<24x2048xf32, #tpu.memory_space<hbm>>
    %dma_start3A_100 = arith.constant 0 : i32
    %dma_start3A_101 = tpu.memref_slice %arg3[%multiple_of3A_97, %dma_start3A_100] : memref<16000x2048xf32, #tpu.memory_space<hbm>> -> memref<24x2048xf32, #tpu.memory_space<hbm>>
    tpu.enqueue_dma source(%arg4 : memref<24x2048xf32, #tpu.memory_space<vmem>>) target(%dma_start3A_101 : memref<24x2048xf32, #tpu.memory_space<hbm>>) target_semaphore(%arg8 : memref<!tpu.dma_semaphore, #tpu.memory_space<semaphore_mem>>)
    %dma_wait3A_102 = arith.constant 0 : i32
    %dma_wait3A_103 = tpu.memref_slice %arg3[%add3A_38, %dma_wait3A_102] : memref<16000x2048xf32, #tpu.memory_space<hbm>> -> memref<24x2048xf32, #tpu.memory_space<hbm>>
    %dma_wait3A_104 = arith.constant 0 : i32
    %dma_wait3A_105 = tpu.memref_slice %arg3[%add3A_38, %dma_wait3A_104] : memref<16000x2048xf32, #tpu.memory_space<hbm>> -> memref<24x2048xf32, #tpu.memory_space<hbm>>
    tpu.wait_dma2 semaphore(%arg9 : memref<!tpu.dma_semaphore, #tpu.memory_space<semaphore_mem>>) src(%arg5 : memref<24x2048xf32, #tpu.memory_space<vmem>>) dst(%dma_wait3A_105 : memref<24x2048xf32, #tpu.memory_space<hbm>>)
    %dma_wait3A_106 = arith.constant 0 : i32
    %dma_wait3A_107 = tpu.memref_slice %arg3[%add3A_38, %dma_wait3A_106] : memref<16000x2048xf32, #tpu.memory_space<hbm>> -> memref<24x2048xf32, #tpu.memory_space<hbm>>
    %dma_wait3A_108 = arith.constant 0 : i32
    %dma_wait3A_109 = tpu.memref_slice %arg3[%add3A_38, %dma_wait3A_108] : memref<16000x2048xf32, #tpu.memory_space<hbm>> -> memref<24x2048xf32, #tpu.memory_space<hbm>>
    tpu.wait_dma2 semaphore(%arg8 : memref<!tpu.dma_semaphore, #tpu.memory_space<semaphore_mem>>) src(%arg4 : memref<24x2048xf32, #tpu.memory_space<vmem>>) dst(%dma_wait3A_109 : memref<24x2048xf32, #tpu.memory_space<hbm>>)
    return
  }
}

</mosaic_0001>

<sc_bundles>
// kernel: kernel.3.cloned.1.call-start
scs
__scs_entry_jumppad:
0x0: {  	(pc) =	sbr.rel $0x88, $3  }
0x1: {  	(tag) =	ssettag $0x0;
	lr =	simm.s32 $0x1  }
0x2: {  	[smem:$0x3FA0] =	sst lr;
	_ =	strace $0xD0000000  }
0x3: {  	_ = 	snop  }
0x4: {  	_ = 	snop  }
0x5: {  	_ = 	snop  }
0x6: {  	_ = 	snop  }
0x7: {  	_ = 	snop  }
__scs_overlays_trampoline_lowered:
0x8: {  	[smem:$0x3FAF] =	sst s0  }
0x9: {  	[smem:$0x3FB0] =	sst s1  }
0xa: {  	[smem:$0x3FB1] =	sst s2  }
0xb: {  	[smem:$0x3FB2] =	sst s3  }
0xc: {  	[smem:$0x3FB3] =	sst s4  }
0xd: {  	[smem:$0x3FB4] =	sst s5  }
0xe: {  	[smem:$0x3FB5] =	sst s6  }
0xf: {  	[smem:$0x3FB6] =	sst s7  }
0x10: {  	[smem:$0x3FB7] =	sst s8  }
0x11: {  	[smem:$0x3FB8] =	sst s9;
	s0 =	simm.s32 @!p0 $0x0  }
0x12: {  	s1 =	sld [smem:$0x3F9E];
	s0 =	simm.s32 @p0 $0x1  }
0x13: {  	[smem:$0x3FB9] =	sst s0;
	s0 =	simm.s32 @!p1 $0x0  }
0x14: {  	s2 =	sld [smem:$0x3F9D];
	s0 =	simm.s32 @p1 $0x1  }
0x15: {  	[smem:$0x3FBA] =	sst s0;
	s0 =	simm.s32 @!p2 $0x0  }
0x16: {  	s3 =	sld [smem:$0x3FDB];
	s0 =	simm.s32 @p2 $0x1  }
0x17: {  	s4 =	simm.s32 $0x1BF5;
	[smem:$0x3FBC] =	sst s0  }
0x18: {  	s0 =	sld [smem:$0x3F9F];
	_ =	swait.ge [sflag:s4], $0x0  }
0x19: {  	s7 =	sld [smem:$0x3FA0]  }
0x1a: {  	s8 =	sadd.s32 $0xFFFFE003, lr  }
0x1b: {  	s9 =	sadd.s32 $0xFFFFFEF7, lr;
	s5 =	simm.s32 $0xFFFFFFFF;
	p2 =	slt.u32 s8, $0xFFFFF086  }
0x1c: {  	p1 =	slt.u32 s9, $0xF7A;
	s5 =	simm.s32 @!p2 $0x0  }
0x1d: {  	s5 =	simm.s32 @p1 $0x1;
	p0 =	seq.s32 s7, s2  }
0x1e: {  	s7 =	smul.u32 @!p0 $0xF7A, s2;
	p2 =	seq.s32 @!p0 s5, $0x0  }
0x1f: {  	s9 =	smul.u32 $0xF7A, s1;
	s8 =	simm.s32 @!p0 $0x1BF5;
	p2 =	por !p2, p0  }
0x20: {  	[sflag:s8] =	ssyncset.s32 @!p0 $0xFFFFF086;
	s6 =	sadd.s32 @!p0 s3, s7;
	s7 =	simm.s32 @!p0 $0x108  }
0x21: {  	s3 =	sadd.s32 s3, s9;
	s6 =	sadd.s32 @!p0 $0x88, s6;
	s7 =	simm.s32 @p2 $0x1082  }
0x22: {  	[simem:s7], [sflag:s8] =	dma.local @!p0 [hbm:s6], $0xF7A  }
0x23: {  	s9 =	sor.u32 $0xD0000000, s2;
	s6 =	simm.s32 $0x108;
	_ =	swait.ge @!p0 [sflag:s8], $0x0  }
0x24: {  	s3 =	sadd.s32 $0x88, s3;
	s6 =	simm.s32 @!p1 $0x1082;
	[sflag:s4] =	ssyncset.s32 $0xFFFFF086  }
0x25: {  	[simem:s6], [sflag:s4] =	dma.local [hbm:s3], $0xF7A  }
0x26: {  	[smem:$0x3FA0] =	sst s1;
	(tag) =	ssettag s2;
	_ =	strace s9  }
0x27: {  	s1 =	sld [smem:$0x3FB0]  }
0x28: {  	s2 =	sld [smem:$0x3FB1]  }
0x29: {  	s4 =	sld [smem:$0x3FB3]  }
0x2a: {  	p0 =	seq.s32 s5, $0x0;
	s5 =	sld [smem:$0x3FB4]  }
0x2b: {  	s6 =	sld [smem:$0x3FB5]  }
0x2c: {  	s7 =	sld [smem:$0x3FB6]  }
0x2d: {  	s3 =	simm.s32 $0x108;
	s8 =	sld [smem:$0x3FB7]  }
0x2e: {  	s3 =	simm.s32 @!p0 $0x1082;
	s9 =	sld [smem:$0x3FB8]  }
0x2f: {  	lr =	sadd.s32 s0, s3;
	s0 =	sld [smem:$0x3FAF]  }
0x30: {  	s3 =	sld [smem:$0x3FB2]  }
0x31: {  	[smem:$0x3FBB] =	sst s10  }
0x32: {  	s10 =	sld [smem:$0x3FB9];
	_ =	sdelay $0x3  }
0x33: {  	p0 =	seq.s32 s10, $0x1;
	s10 =	sld [smem:$0x3FBB];
	_ =	sdelay $0x3  }
0x34: {  	[smem:$0x3FBB] =	sst s10  }
0x35: {  	s10 =	sld [smem:$0x3FBA];
	_ =	sdelay $0x3  }
0x36: {  	p1 =	seq.s32 s10, $0x1;
	s10 =	sld [smem:$0x3FBB];
	_ =	sdelay $0x3  }
0x37: {  	[smem:$0x3FBB] =	sst s10  }
0x38: {  	s10 =	sld [smem:$0x3FBC]  }
0x39: {  	_ = 	snop;
	(pc) =	sbr.ind lr, $3  }
0x3a: {  	_ = 	snop  }
0x3b: {  	_ = 	snop  }
0x3c: {  	p2 =	seq.s32 s10, $0x1;
	s10 =	sld [smem:$0x3FBB]  }
0x3d: {  	_ =	shalt  }
0x3e: {  	_ =	shalt  }
0x3f: {  	_ =	shalt  }
0x40: {  	_ =	shalt  }
0x41: {  	_ =	shalt  }
0x42: {  	_ =	shalt  }
0x43: {  	_ =	shalt  }
0x44: {  	_ =	shalt  }
0x45: {  	_ =	shalt  }
0x46: {  	_ =	shalt  }
0x47: {  	_ =	shalt  }
0x48: {  	_ =	shalt  }
0x49: {  	_ =	shalt  }
0x4a: {  	_ =	shalt  }
0x4b: {  	_ =	shalt  }
0x4c: {  	_ =	shalt  }
0x4d: {  	_ =	shalt  }
0x4e: {  	_ =	shalt  }
0x4f: {  	_ =	shalt  }
0x50: {  	_ =	shalt  }
0x51: {  	_ =	shalt  }
0x52: {  	_ =	shalt  }
0x53: {  	_ =	shalt  }
0x54: {  	_ =	shalt  }
0x55: {  	_ =	shalt  }
0x56: {  	_ =	shalt  }
0x57: {  	_ =	shalt  }
0x58: {  	_ =	shalt  }
0x59: {  	_ =	shalt  }
0x5a: {  	_ =	shalt  }
0x5b: {  	_ =	shalt  }
0x5c: {  	_ =	shalt  }
0x5d: {  	_ =	shalt  }
0x5e: {  	_ =	shalt  }
0x5f: {  	_ =	shalt  }
0x60: {  	_ =	shalt  }
0x61: {  	_ =	shalt  }
0x62: {  	_ =	shalt  }
0x63: {  	_ =	shalt  }
0x64: {  	_ =	shalt  }
0x65: {  	_ =	shalt  }
0x66: {  	_ =	shalt  }
0x67: {  	_ =	shalt  }
0x68: {  	_ =	shalt  }
0x69: {  	_ =	shalt  }
0x6a: {  	_ =	shalt  }
0x6b: {  	_ =	shalt  }
0x6c: {  	_ =	shalt  }
0x6d: {  	_ =	shalt  }
0x6e: {  	_ =	shalt  }
0x6f: {  	_ =	shalt  }
0x70: {  	_ =	shalt  }
0x71: {  	_ =	shalt  }
0x72: {  	_ =	shalt  }
0x73: {  	_ =	shalt  }
0x74: {  	_ =	shalt  }
0x75: {  	_ =	shalt  }
0x76: {  	_ =	shalt  }
0x77: {  	_ =	shalt  }
0x78: {  	_ =	shalt  }
0x79: {  	_ =	shalt  }
0x7a: {  	_ =	shalt  }
0x7b: {  	_ =	shalt  }
0x7c: {  	_ =	shalt  }
0x7d: {  	_ =	shalt  }
0x7e: {  	_ =	shalt  }
0x7f: {  	_ =	shalt  }
0x80: {  	_ =	shalt  }
0x81: {  	_ =	shalt  }
0x82: {  	_ =	shalt  }
0x83: {  	_ =	shalt  }
0x84: {  	_ =	shalt  }
0x85: {  	_ =	shalt  }
0x86: {  	_ =	shalt  }
0x87: {  	_ =	shalt  }
.Lfunc_end0:
.L_simem_size_0:
called_computation_lowered:
.L_overlay_start_0:
0x88: {  	s2 =	sld [smem:$0x3FD9]  }
0x89: {  	s3 =	sld [smem:$0x3FFE];
	_ =	sdelay $0x1  }
0x8a: {  	s1 =	srdreg.scid  }
0x8b: {  	s0 =	sand.u32 $0x1, s1  }
0x8c: {  	s18 =	sshll.u32 s0, $0xA;
	s2 =	sadd.s32 s3, s2  }
0x8d: {  	s2 =	sadd.s32 s2, s18  }
0x8e: {  	[smem:$0x3FC7] =	sst s2  }
0x8f: {  	_ = 	snop  }
0x90: {  	s2 =	sld [smem:$0x3FC9]  }
0x91: {  	s19 =	sld [smem:$0x3FD0];
	(tm) =	ssettm $0x1  }
0x92: {  	s4 =	sld [smem:$0x3FFB];
	_ =	sdelay $0x3  }
0x93: {  	_ =	strace s4  }
0x94: {  	s4 =	sld [smem:$0x3FFC];
	_ =	sdelay $0x3  }
0x95: {  	_ =	strace s4  }
0x96: {  	s4 =	sld [smem:$0x3FFD];
	_ =	sdelay $0x3  }
0x97: {  	_ =	strace s4  }
0x98: {  	_ =	strace $0x8FFFFFFF  }
0x99: {  	s20 =	sld [smem:$0x3FDB];
	_ =	sdelay $0x1  }
0x9a: {  	s5 =	simm.s32 $_scs_section_size  }
0x9b: {  	s6 =	simm.s32 $_size__tile_overlayer_lowered;
	s7 =	simm.s32 $_tile_overlayer_lowered  }
0x9c: {  	s23 =	simm.s32 $0x1BFF;
	s22 =	sshll.u32 s7, $0x1;
	s4 =	sadd.s32 s5, s20  }
0x9d: {  	s8 =	simm.s32 $0x0;
	s21 =	sshll.u32 s6, $0x1;
	s6 =	sadd.s32 s22, s4  }
0x9e: {  	[timem:s8], [sflag:s23] =	dma.local [hbm:s6], s21  }
0x9f: {  	_ =	swait.ge [sflag:s23], s21  }
0xa0: {  	s5 =	ssub.s32 $0x0, s21;
	[sflag:s23] =	ssyncset.done $0x0  }
0xa1: {  	[sflag:s23] =	ssyncadd.s32 s5;
	_ =	sdelay $0x1  }
0xa2: {  	s24 =	simm.s32 $0x1B8B  }
0xa3: {  	_ =	swait.ge [sflag:s24], $0x1  }
0xa4: {  	[sflag:s24] =	ssyncset.done $0x0  }
0xa5: {  	s25 =	simm.s32 $0x1B8E;
	[sflag:s24] =	ssyncadd.s32 $0xFFFFFFFF  }
0xa6: {  	s26 =	simm.s32 $execute0_lowered;
	[smem:$0x3FD2] =	sst s25  }
0xa7: {  	s5 =	sshll.u32 s26, $0x1;
	_ =	strace $0x80000046;
	[dreg:$0x1] =	wrdreg $0xFFFFFFFF  }
0xa8: {  	s28 =	simm.s32 $_size_execute0_lowered;
	s4 =	sadd.s32 s4, s5;
	[dreg:$0x0] =	wrdreg $0x0  }
0xa9: {  	s5 =	sshll.u32 s28, $0x1;
	[dreg:$0x2] =	wrdreg s4  }
0xaa: {  	[dreg:$0x3] =	wrdreg s5  }
0xab: {  	[dreg:$0x4] =	wrdreg $0xC0  }
0xac: {  	_ =	task [dreg:s8], $0x5FFFF  }
0xad: {  	[dreg:$0x1] =	wrdreg $0xFFFFFFFF  }
0xae: {  	[dreg:$0x0] =	wrdreg $0x60  }
0xaf: {  	[dreg:$0x2] =	wrdreg s2  }
0xb0: {  	[dreg:$0x3] =	wrdreg s19  }
0xb1: {  	[dreg:$0x4] =	wrdreg $0x9  }
0xb2: {  	_ =	task.clear_ibuf [dreg:s8], $0x5FFFF;
	_ =	strace $0x90000046  }
0xb3: {  	s29 =	simm.s32 $0x9;
	_ =	strace $0x80000048  }
0xb4: {  	_ =	swait.ge [sflag:s29], $0x1  }
0xb5: {  	[sflag:s29] =	ssyncadd.s32 $0xFFFFFFFF  }
0xb6: {  	_ =	strace $0x90000048  }
0xb7: {  	_ =	sfence  }
0xb8: {  	s30 =	sld [smem:$0x0];
	_ =	sdelay $0x2  }
0xb9: {  	s31 =	sshll.u32 s1, $0xD;
	s1 =	sshrl.u32 s1, $0x2  }
0xba: {  	s3 =	sand.u32 $0x4000, s31;
	s1 =	sadd.s32 s1, s30  }
0xbb: {  	s0 =	sor.u32 s3, s0;
	s1 =	sshll.u32 s1, $0x11  }
0xbc: {  	s0 =	sor.u32 s1, s0  }
0xbd: {  	s0 =	sadd.s32 $0x8F2B, s0  }
0xbe: {  	[sflag:s0] =	ssyncadd.remote.s32 $0x1  }
0xbf: {  	_ =	sfence.sel $0xFFFF  }
0xc0: {  	[dreg:$0x0] =	wrdreg $0xFFFFFFFF;
	(pc) =	sbr.abs _section_cstart, $3  }
0xc1: {  	[dreg:$0x1] =	wrdreg $0xFFFFFFFF  }
0xc2: {  	_ =	task.clear_ibuf [dreg:s8], $0x2FFFF;
	_ =	strace $0x9FFFFFFF  }
0xc3: {  	(tm) =	ssettm $0x7FFFFFFF  }
tec
execute0_lowered:
.L_overlay_start_1:
0x0: {  	(tag) =	ssettag $0x1  }
0x1: {  	s10 =	rddreg [dreg:$0x0]  }
0x2: {  	s0 =	srdreg.scid;
	s12 =	rddreg [dreg:$0x1];
	s2 =	simm.s32 $0x0  }
0x3: {  	s5 =	simm.s32 $0x1;
	s14 =	simm.s32 $0x1D0;
	s3 =	sand.u32 $0x1, s0  }
0x4: {  	s0 =	stileid.u32;
	[smem:$0x7FF] =	sst s2;
	s1 =	sshll.u32 s3, $0x4  }
0x5: {  	s8 =	sand.u32 $0x3, s0;
	s3 =	ssub.s32 $0x2, s3;
	s4 =	sor.u32 s0, s1  }
0x6: {  	p1 =	sne.s32 s8, $0x0;
	s1 =	rddreg [dreg:$0x2];
	p0 =	seq.s32 s4, $0x0  }
0x7: {  	_ =	strace $0x80000047;
	s6 =	smul.u32 $0x1F8, s8;
	p0 =	por !p1, !p0  }
0x8: {  	s22 =	sshrl.u32 s3, $0x1;
	s29 =	smul.u32 $0x1F800, s8;
	p0 =	por !p0, !p0  }
0x9: {  	s4 =	sshrl.u32 s4, $0x2;
	s11 =	ssub.s32 s3, s22;
	s5 =	simm.s32 @!p0 $0x0  }
0xa: {  	s3 =	simm.s32 $0x1;
	p0 =	seq.s32 s8, $0x3;
	s9 =	ssub.s32 s4, s5  }
0xb: {  	s14 =	simm.s32 @!p0 $0x1E0;
	s5 =	sshll.u32 s9, $0xB;
	s7 =	smul.u32 $0x7D0, s9  }
0xc: {  	s30 =	sshll.u32 s9, $0x13;
	s17 =	smul.u32 $0x7D000, s9;
	s5 =	sor.u32 s6, s5  }
0xd: {  	s31 =	sadd.s32 s30, s10;
	s13 =	sadd.s32 s6, s7;
	s23 =	sshll.u32 s5, $0x8  }
0xe: {  	s24 =	sshll.u32 s5, $0xB;
	s16 =	sadd.s32 s14, s5;
	s4 =	sadd.s32 s10, s23  }
0xf: {  	s6 =	sadd.s32 $0xC000, s24;
	s15 =	sshll.u32 s13, $0xB;
	s28 =	sshll.u32 s16, $0x8  }
0x10: {  	s13 =	sadd.s32 s14, s13;
	s14 =	simm.s32 $0x3;
	s16 =	simm.s32 $0x4  }
0x11: {  	s6 =	sshrl.u32 s6, $0x3;
	s25 =	sadd.s32 $0xD8000, s15;
	s7 =	sadd.s32 s10, s28  }
0x12: {  	s15 =	sadd.s32 $0xE4000, s15;
	s13 =	sshll.u32 s13, $0x8;
	s5 =	sadd.s32 s10, s6  }
0x13: {  	s26 =	sshrl.u32 s25, $0x3;
	s15 =	sshrl.u32 s15, $0x3;
	s9 =	sadd.s32 s12, s13  }
0x14: {  	s10 =	smax.u32 s11, $0x1;
	s11 =	sadd.s32 s29, s31;
	s13 =	simm.s32 $0xC000  }
0x15: {  	s6 =	sadd.s32 s12, s26;
	s8 =	sadd.s32 s12, s15;
	s12 =	sadd.s32 s17, s12  }
0x16: {  	s15 =	simm.s32 $0x2;
	s17 =	simm.s32 $0x0;
	s12 =	sadd.s32 s29, s12  }
.LBB2_1:
0x17: {  	[tilespmem:s2], [sflag:$0x1] =	stream.linear.gather [hbm4b:s4+s2], $0xC000, $0x38;
	[tilespmem:$0x18000] =	vst v63  }
0x18: {  	_ = 	snop  }
0x19: {  	[tilespmem:s13], [sflag:$0x2] =	stream.linear.gather [hbm4b:s5+s2], $0xC000, $0x38;
	[tilespmem:$0x18000] =	vst v63  }
0x1a: {  	_ =	swait.ge [sflag:s3], $0xC000  }
0x1b: {  	[sflag:s3] =	ssyncset.done $0x0  }
0x1c: {  	s18 =	sadd.s32 $0x0, s12;
	[sflag:s3] =	ssyncadd.s32 $0xFFFF4000  }
0x1d: {  	[hbm4b:s18+s2] =	stream.linear.scatter [tilespmem:s2], [sflag:$0x3], $0xC000, $0x38;
	[tilespmem:$0x18000] =	vst v63  }
0x1e: {  	_ =	swait.ge [sflag:s14], $0xC000  }
0x1f: {  	s19 =	sadd.s32 $0x0, s11;
	[sflag:s14] =	ssyncset.done $0x0  }
0x20: {  	s20 =	sadd.s32 $0x3000, s19;
	[sflag:s14] =	ssyncadd.s32 $0xFFFF4000  }
0x21: {  	[tilespmem:s2], [sflag:$0x1] =	stream.linear.gather [hbm4b:s20+s2], $0xC000, $0x38;
	[tilespmem:$0x18000] =	vst v63  }
0x22: {  	_ =	swait.ge [sflag:s15], $0xC000  }
0x23: {  	[sflag:s15] =	ssyncset.done $0x0  }
0x24: {  	s18 =	sadd.s32 $0x1800, s18;
	[sflag:s15] =	ssyncadd.s32 $0xFFFF4000  }
0x25: {  	[hbm4b:s18+s2] =	stream.linear.scatter [tilespmem:s13], [sflag:$0x4], $0xC000, $0x38;
	[tilespmem:$0x18000] =	vst v63  }
0x26: {  	_ =	swait.ge [sflag:s16], $0xC000  }
0x27: {  	[sflag:s16] =	ssyncset.done $0x0  }
0x28: {  	s19 =	sadd.s32 $0x4800, s19;
	s18 =	simm.s32 $0x3000;
	[sflag:s16] =	ssyncadd.s32 $0xFFFF4000  }
.LBB2_2:
0x29: {  	[tilespmem:s13], [sflag:$0x2] =	stream.linear.gather [hbm4b:s19+s2], $0xC000, $0x38;
	[tilespmem:$0x18000] =	vst v63  }
0x2a: {  	s19 =	smov.u32 s18  }
0x2b: {  	p0 =	sne.s32 s18, $0x18000;
	s18 =	sadd.s32 $0x3000, s18;
	_ =	swait.ge [sflag:s3], $0xC000  }
0x2c: {  	[sflag:s3] =	ssyncset.done $0x0  }
0x2d: {  	s20 =	sadd.s32 s19, s12;
	[sflag:s3] =	ssyncadd.s32 $0xFFFF4000  }
0x2e: {  	[hbm4b:s20+s2] =	stream.linear.scatter [tilespmem:s2], [sflag:$0x3], $0xC000, $0x38;
	[tilespmem:$0x18000] =	vst v63  }
0x2f: {  	_ =	swait.ge [sflag:s14], $0xC000  }
0x30: {  	s19 =	sadd.s32 s19, s11;
	[sflag:s14] =	ssyncset.done $0x0  }
0x31: {  	s21 =	sadd.s32 $0x3000, s19;
	[sflag:s14] =	ssyncadd.s32 $0xFFFF4000  }
0x32: {  	[tilespmem:s2], [sflag:$0x1] =	stream.linear.gather [hbm4b:s21+s2], $0xC000, $0x38;
	[tilespmem:$0x18000] =	vst v63  }
0x33: {  	_ =	swait.ge [sflag:s15], $0xC000  }
0x34: {  	[sflag:s15] =	ssyncset.done $0x0  }
.Ltmp0:
0x35: {  	s20 =	sadd.s32 $0x1800, s20;
	[sflag:s15] =	ssyncadd.s32 $0xFFFF4000;
	(pc) =	sbr.rel @p0 .LBB2_2-.Ltmp0, $4  }
0x36: {  	[hbm4b:s20+s2] =	stream.linear.scatter [tilespmem:s13], [sflag:$0x4], $0xC000, $0x38;
	[tilespmem:$0x18000] =	vst v63  }
0x37: {  	_ =	swait.ge [sflag:s16], $0xC000  }
0x38: {  	[sflag:s16] =	ssyncset.done $0x0  }
0x39: {  	s19 =	sadd.s32 $0x4800, s19;
	[sflag:s16] =	ssyncadd.s32 $0xFFFF4000  }
0x3a: {  	[tilespmem:s13], [sflag:$0x2] =	stream.linear.gather [hbm4b:s19+s2], $0xC000, $0x38;
	[tilespmem:$0x18000] =	vst v63  }
0x3b: {  	_ =	swait.ge [sflag:s3], $0xC000  }
0x3c: {  	[sflag:s3] =	ssyncset.done $0x0  }
0x3d: {  	[sflag:s3] =	ssyncadd.s32 $0xFFFF4000  }
0x3e: {  	[hbm4b:s6+s2] =	stream.linear.scatter [tilespmem:s2], [sflag:$0x3], $0xC000, $0x38;
	[tilespmem:$0x18000] =	vst v63  }
0x3f: {  	_ =	swait.ge [sflag:s14], $0xC000  }
0x40: {  	[sflag:s14] =	ssyncset.done $0x0  }
0x41: {  	[sflag:s14] =	ssyncadd.s32 $0xFFFF4000  }
0x42: {  	[tilespmem:s2], [sflag:$0x1] =	stream.linear.gather [hbm4b:s7+s2], $0xC000, $0x38;
	[tilespmem:$0x18000] =	vst v63  }
0x43: {  	_ =	swait.ge [sflag:s15], $0xC000  }
0x44: {  	[sflag:s15] =	ssyncset.done $0x0  }
0x45: {  	[sflag:s15] =	ssyncadd.s32 $0xFFFF4000  }
0x46: {  	[hbm4b:s8+s2] =	stream.linear.scatter [tilespmem:s13], [sflag:$0x4], $0xC000, $0x38;
	[tilespmem:$0x18000] =	vst v63  }
0x47: {  	_ =	swait.ge [sflag:s3], $0xC000  }
0x48: {  	[sflag:s3] =	ssyncset.done $0x0  }
0x49: {  	s17 =	sadd.s32 $0x1, s17;
	[sflag:s3] =	ssyncadd.s32 $0xFFFF4000  }
0x4a: {  	[hbm4b:s9+s2] =	stream.linear.scatter [tilespmem:s2], [sflag:$0x3], $0xC000, $0x38;
	[tilespmem:$0x18000] =	vst v63  }
0x4b: {  	p0 =	sne.s32 s17, s10;
	_ =	swait.ge [sflag:s16], $0xC000  }
.Ltmp1:
0x4c: {  	[sflag:s16] =	ssyncset.done $0x0;
	(pc) =	sbr.rel @p0 .LBB2_1-.Ltmp1, $4  }
0x4d: {  	[sflag:s16] =	ssyncadd.s32 $0xFFFF4000  }
0x4e: {  	_ =	swait.ge [sflag:s14], $0xC000  }
0x4f: {  	[sflag:s14] =	ssyncset.done $0x0  }
0x50: {  	[sflag:s14] =	ssyncadd.s32 $0xFFFF4000  }
0x51: {  	_ =	sfence.sel $0x180000  }
0x52: {  	[bflag:$0x0] =	sbarrier.arrive $0xFFFF  }
0x53: {  	p0 =	sne.s32 s0, $0x0;
	_ =	strace $0x90000047  }
0x54: {  	s0 =	sadd.s32 @!p0 $0x100000, s1;
	[bflag:$0x2] =	sbarrier.arrive $0xFFFF  }
0x55: {  	[sflag:s0] =	ssyncadd.tile.s32 @!p0 $0x1;
	_ =	shalt  }
.Lfunc_end2:
_tile_overlayer_lowered:
.L_overlay_start_2:
0x56: {  	(tag) =	ssettag $0x2  }
0x57: {  	s0 =	rddreg [dreg:$0x0];
	s2 =	stileid.u32  }
0x58: {  	s1 =	rddreg [dreg:$0x1];
	p0 =	sne.s32 s2, $0x0  }
0x59: {  	s3 =	rddreg [dreg:$0x2];
	[bflag:$0x3] =	sbarrier.arrive $0xFFFF;
	s2 =	simm.s32 @!p0 $0x1C05  }
0x5a: {  	[timem:s3], [sflag:s2] =	dma.local @!p0 [hbm:s0], s1  }
0x5b: {  	s0 =	simm.s32 @!p0 $0x5  }
0x5c: {  	_ =	swait.ge @!p0 [sflag:s0], s1  }
0x5d: {  	s1 =	ssub.s32 @!p0 $0x0, s1;
	[sflag:s0] =	ssyncset.done @!p0 $0x0  }
0x5e: {  	[sflag:s0] =	ssyncadd.s32 @!p0 s1  }
0x5f: {  	[bflag:$0x3] =	sbarrier.arrive $0xFFFF  }
0x60: {  	_ =	shalt  }

</sc_bundles>
